<compile_context>
chip_gen: v7x
topology: tpu7x:2x2x1
jax: 0.10.2.dev20260603
libtpu: 0.0.44.dev20260713+nightly
codegen_flags: <defaults>
</compile_context>

<pallas_src>
import jax
import jax.numpy as jnp
from jax import lax
from jax.experimental import pallas as pl
from jax.experimental.pallas import tpu as pltpu
from jax.experimental.pallas import tpu_sc as plsc

_N = 4096
_C = 26
_DEPTH = 1000
_NW = 32
_RPW = _N // _NW
_R = 1
_NCH = _RPW // _R
_PAD = 32
_NVEC = _PAD // 16


def _sc_body(idxpad_hbm, rpat_hbm, cpat_hbm, zeros_hbm, out_hbm,
             idx_v, rpat_v, cpat_v, buf0, buf1, sem0, sem1):
    wid = lax.axis_index("s") * 2 + lax.axis_index("c")

    pltpu.sync_copy(idxpad_hbm.at[pl.ds(wid * (_NCH * _PAD), _NCH * _PAD)],
                    idx_v)
    pltpu.sync_copy(rpat_hbm, rpat_v)
    pltpu.sync_copy(cpat_hbm, cpat_v)
    pltpu.sync_copy(zeros_hbm, buf0)
    pltpu.sync_copy(zeros_hbm, buf1)

    ones = jnp.full((16,), 1.0, jnp.float32)
    zeros = jnp.zeros((16,), jnp.float32)
    row_base = wid * _RPW

    def scatter(buf, ch, val):
        for t in range(_NVEC):
            iv = idx_v[pl.ds(ch * _PAD + t * 16, 16)]
            rv = rpat_v[pl.ds(t * 16, 16)]
            cv = cpat_v[pl.ds(t * 16, 16)]
            plsc.store_scatter(buf, [rv, cv, iv], val, mask=iv >= 0)

    def body(g, carry):
        for b, (buf, sem) in enumerate(((buf0, sem0), (buf1, sem1))):
            ch = 2 * g + b

            @pl.when(g >= 1)
            def _recycle():
                pltpu.make_async_copy(
                    buf, out_hbm.at[pl.ds(row_base, _R)], sem).wait()
                scatter(buf, ch - 2, zeros)

            scatter(buf, ch, ones)
            pltpu.make_async_copy(
                buf, out_hbm.at[pl.ds(row_base + ch * _R, _R)], sem).start()
        return carry

    lax.fori_loop(0, _NCH // 2, body, 0)

    pltpu.make_async_copy(buf0, out_hbm.at[pl.ds(row_base, _R)], sem0).wait()
    pltpu.make_async_copy(buf1, out_hbm.at[pl.ds(row_base, _R)], sem1).wait()


@jax.jit
def _one_hot_sc(idx_pad_flat, rpat, cpat, zeros_chunk):
    mesh = plsc.VectorSubcoreMesh(core_axis_name="c", subcore_axis_name="s",
                                  num_cores=2, num_subcores=16)
    return pl.kernel(
        _sc_body,
        out_type=jax.ShapeDtypeStruct((_N, _C, _DEPTH), jnp.float32),
        mesh=mesh,
        compiler_params=pltpu.CompilerParams(needs_layout_passes=False),
        scratch_types=[
            pltpu.VMEM((_NCH * _PAD,), jnp.int32),
            pltpu.VMEM((_PAD,), jnp.int32),
            pltpu.VMEM((_PAD,), jnp.int32),
            pltpu.VMEM((_R, _C, _DEPTH), jnp.float32),
            pltpu.VMEM((_R, _C, _DEPTH), jnp.float32),
            pltpu.SemaphoreType.DMA,
            pltpu.SemaphoreType.DMA,
        ],
    )(idx_pad_flat, rpat, cpat, zeros_chunk)


def kernel(inputs):
    idx = inputs.astype(jnp.int32)
    chunks = idx.reshape(_N // _R, _R * _C)
    pad = jnp.full((_N // _R, _PAD - _R * _C), -1, jnp.int32)
    idx_pad_flat = jnp.concatenate([chunks, pad], axis=1).reshape(-1)
    slot = jnp.arange(_PAD, dtype=jnp.int32)
    valid = slot < _R * _C
    rpat = jnp.where(valid, slot // _C, 0)
    cpat = jnp.where(valid, slot % _C, 0)
    zeros_chunk = jnp.zeros((_R, _C, _DEPTH), jnp.float32)
    return _one_hot_sc(idx_pad_flat, rpat, cpat, zeros_chunk)

# --- scband reference (transcript-rebuilt; emitter-appended) ---
"""Pipeline reference for scband-one-hot-layer-42004780155385 (READ-ONLY COPY).

The authoritative reference and input builder live on the scoring server;
editing this copy changes nothing except your own understanding.
"""

import jax, jax.numpy as jnp
import numpy as np


def setup_inputs(seed: int = 0) -> dict:
    key = jax.random.key(seed)
    inputs = jax.random.randint(key, (4096, 26), 0, 1000, dtype=jnp.int64 if jax.config.jax_enable_x64 else jnp.int32)
    return {"inputs": inputs}


def reference(inputs) -> jnp.ndarray:
    # tf.one_hot(inputs, depth) with default on_value=1.0, off_value=0.0, dtype float32
    depth = 1000
    return jax.nn.one_hot(inputs, depth, dtype=jnp.float32)

if __name__ == "__main__":
    import jax
    _d = setup_inputs()
    print(jax.jit(kernel)(*tuple(_d.values())))

</pallas_src>

<mosaic_0001>
#map = affine_map<(d0, d1) -> (0)>
#map1 = affine_map<(d0, d1) -> (0, 0, 0)>
module attributes {stable_mosaic.version = 14 : i64} {
  func.func @_sc_body(%arg0: i32, %arg1: i32, %arg2: memref<131072xi32, #tpu.memory_space<hbm>>, %arg3: memref<32xi32, #tpu.memory_space<hbm>>, %arg4: memref<32xi32, #tpu.memory_space<hbm>>, %arg5: memref<1x26x1000xf32, #tpu.memory_space<hbm>>, %arg6: memref<4096x26x1000xf32, #tpu.memory_space<hbm>>, %arg7: memref<4096xi32, #tpu.memory_space<vmem>>, %arg8: memref<32xi32, #tpu.memory_space<vmem>>, %arg9: memref<32xi32, #tpu.memory_space<vmem>>, %arg10: memref<1x26x1000xf32, #tpu.memory_space<vmem>>, %arg11: memref<1x26x1000xf32, #tpu.memory_space<vmem>>, %arg12: memref<!tpu.dma_semaphore, #tpu.memory_space<semaphore_mem>>, %arg13: memref<!tpu.dma_semaphore, #tpu.memory_space<semaphore_mem>>) attributes {dimension_semantics = [#tpu.dimension_semantics<core_parallel>, #tpu.dimension_semantics<subcore_parallel>], iteration_bounds = array<i64: 2, 16>, scalar_prefetch = 0 : i64, scratch_operands = 7 : i64, tpu.core_type = #tpu.core_type<sc_vector_subcore>, window_params = [{transform_indices = #map}, {transform_indices = #map}, {transform_indices = #map}, {transform_indices = #map1}, {transform_indices = #map1}]} {
    %mul3A = arith.constant 2 : i32
    %mul3A_0 = arith.muli %arg1, %mul3A : i32
    %add3A = arith.addi %mul3A_0, %arg0 : i32
    %mul3A_1 = arith.constant 4096 : i32
    %mul3A_2 = arith.muli %add3A, %mul3A_1 : i32
    "tpu.region"() ({
      %run_scoped3A = tpu.sem_alloc : memref<!tpu.dma_semaphore, #tpu.memory_space<semaphore_mem>>
      %dma_start3A = tpu.memref_slice %arg2[%mul3A_2] : memref<131072xi32, #tpu.memory_space<hbm>> -> memref<4096xi32, #tpu.memory_space<hbm>>
      %dma_start3A_24 = tpu.memref_slice %arg2[%mul3A_2] : memref<131072xi32, #tpu.memory_space<hbm>> -> memref<4096xi32, #tpu.memory_space<hbm>>
      tpu.enqueue_dma source(%dma_start3A_24 : memref<4096xi32, #tpu.memory_space<hbm>>) target(%arg7 : memref<4096xi32, #tpu.memory_space<vmem>>) target_semaphore(%run_scoped3A : memref<!tpu.dma_semaphore, #tpu.memory_space<semaphore_mem>>)
      %dma_wait3A_25 = tpu.memref_slice %arg2[%mul3A_2] : memref<131072xi32, #tpu.memory_space<hbm>> -> memref<4096xi32, #tpu.memory_space<hbm>>
      %dma_wait3A_26 = tpu.memref_slice %arg2[%mul3A_2] : memref<131072xi32, #tpu.memory_space<hbm>> -> memref<4096xi32, #tpu.memory_space<hbm>>
      tpu.wait_dma2 semaphore(%run_scoped3A : memref<!tpu.dma_semaphore, #tpu.memory_space<semaphore_mem>>) src(%dma_wait3A_26 : memref<4096xi32, #tpu.memory_space<hbm>>) dst(%arg7 : memref<4096xi32, #tpu.memory_space<vmem>>)
      tpu.yield
    }) : () -> ()
    "tpu.region"() ({
      %run_scoped3A = tpu.sem_alloc : memref<!tpu.dma_semaphore, #tpu.memory_space<semaphore_mem>>
      tpu.enqueue_dma source(%arg3 : memref<32xi32, #tpu.memory_space<hbm>>) target(%arg8 : memref<32xi32, #tpu.memory_space<vmem>>) target_semaphore(%run_scoped3A : memref<!tpu.dma_semaphore, #tpu.memory_space<semaphore_mem>>)
      tpu.wait_dma2 semaphore(%run_scoped3A : memref<!tpu.dma_semaphore, #tpu.memory_space<semaphore_mem>>) src(%arg3 : memref<32xi32, #tpu.memory_space<hbm>>) dst(%arg8 : memref<32xi32, #tpu.memory_space<vmem>>)
      tpu.yield
    }) : () -> ()
    "tpu.region"() ({
      %run_scoped3A = tpu.sem_alloc : memref<!tpu.dma_semaphore, #tpu.memory_space<semaphore_mem>>
      tpu.enqueue_dma source(%arg4 : memref<32xi32, #tpu.memory_space<hbm>>) target(%arg9 : memref<32xi32, #tpu.memory_space<vmem>>) target_semaphore(%run_scoped3A : memref<!tpu.dma_semaphore, #tpu.memory_space<semaphore_mem>>)
      tpu.wait_dma2 semaphore(%run_scoped3A : memref<!tpu.dma_semaphore, #tpu.memory_space<semaphore_mem>>) src(%arg4 : memref<32xi32, #tpu.memory_space<hbm>>) dst(%arg9 : memref<32xi32, #tpu.memory_space<vmem>>)
      tpu.yield
    }) : () -> ()
    "tpu.region"() ({
      %run_scoped3A = tpu.sem_alloc : memref<!tpu.dma_semaphore, #tpu.memory_space<semaphore_mem>>
      tpu.enqueue_dma source(%arg5 : memref<1x26x1000xf32, #tpu.memory_space<hbm>>) target(%arg10 : memref<1x26x1000xf32, #tpu.memory_space<vmem>>) target_semaphore(%run_scoped3A : memref<!tpu.dma_semaphore, #tpu.memory_space<semaphore_mem>>)
      tpu.wait_dma2 semaphore(%run_scoped3A : memref<!tpu.dma_semaphore, #tpu.memory_space<semaphore_mem>>) src(%arg5 : memref<1x26x1000xf32, #tpu.memory_space<hbm>>) dst(%arg10 : memref<1x26x1000xf32, #tpu.memory_space<vmem>>)
      tpu.yield
    }) : () -> ()
    "tpu.region"() ({
      %run_scoped3A = tpu.sem_alloc : memref<!tpu.dma_semaphore, #tpu.memory_space<semaphore_mem>>
      tpu.enqueue_dma source(%arg5 : memref<1x26x1000xf32, #tpu.memory_space<hbm>>) target(%arg11 : memref<1x26x1000xf32, #tpu.memory_space<vmem>>) target_semaphore(%run_scoped3A : memref<!tpu.dma_semaphore, #tpu.memory_space<semaphore_mem>>)
      tpu.wait_dma2 semaphore(%run_scoped3A : memref<!tpu.dma_semaphore, #tpu.memory_space<semaphore_mem>>) src(%arg5 : memref<1x26x1000xf32, #tpu.memory_space<hbm>>) dst(%arg11 : memref<1x26x1000xf32, #tpu.memory_space<vmem>>)
      tpu.yield
    }) : () -> ()
    %broadcast_in_dim3A = arith.constant 1.000000e+00 : f32
    %broadcast_in_dim3A_3 = vector.broadcast %broadcast_in_dim3A : f32 to vector<16xf32>
    %broadcast_in_dim3A_4 = arith.constant 0.000000e+00 : f32
    %broadcast_in_dim3A_5 = vector.broadcast %broadcast_in_dim3A_4 : f32 to vector<16xf32>
    %mul3A_6 = arith.constant 128 : i32
    %mul3A_7 = arith.muli %add3A, %mul3A_6 : i32
    %scan3A = arith.constant 0 : i32
    %scan3A_8 = arith.constant 0 : i32
    %scan3A_9 = arith.constant 64 : i32
    %scan3A_10 = arith.addi %scan3A_8, %scan3A_9 : i32
    %scan3A_11 = arith.constant 1 : i32
    scf.for %scan3A_24 = %scan3A_8 to %scan3A_10 step %scan3A_11  : i32 {
      %mul3A_25 = arith.constant 2 : i32
      %mul3A_26 = arith.muli %mul3A_25, %scan3A_24 : i32
      %add3A_27 = arith.constant 0 : i32
      %add3A_28 = arith.addi %mul3A_26, %add3A_27 : i32
      %ge3A = arith.constant 1 : i32
      %ge3A_29 = arith.cmpi sge, %scan3A_24, %ge3A : i32
      %convert_element_type3A = arith.extui %ge3A_29 : i1 to i32
      %cond3A = arith.constant 0 : i32
      %cond3A_30 = arith.cmpi ne, %convert_element_type3A, %cond3A : i32
      scf.if %cond3A_30 {
        %dma_wait3A_108 = arith.constant 0 : i32
        %dma_wait3A_109 = arith.constant 0 : i32
        %dma_wait3A_110 = tpu.memref_slice %arg6[%mul3A_7, %dma_wait3A_108, %dma_wait3A_109] : memref<4096x26x1000xf32, #tpu.memory_space<hbm>> -> memref<1x26x1000xf32, #tpu.memory_space<hbm>>
        %dma_wait3A_111 = arith.constant 0 : i32
        %dma_wait3A_112 = arith.constant 0 : i32
        %dma_wait3A_113 = tpu.memref_slice %arg6[%mul3A_7, %dma_wait3A_111, %dma_wait3A_112] : memref<4096x26x1000xf32, #tpu.memory_space<hbm>> -> memref<1x26x1000xf32, #tpu.memory_space<hbm>>
        tpu.wait_dma2 semaphore(%arg12 : memref<!tpu.dma_semaphore, #tpu.memory_space<semaphore_mem>>) src(%arg10 : memref<1x26x1000xf32, #tpu.memory_space<vmem>>) dst(%dma_wait3A_113 : memref<1x26x1000xf32, #tpu.memory_space<hbm>>)
        %sub3A = arith.constant 2 : i32
        %sub3A_114 = arith.subi %add3A_28, %sub3A : i32
        %mul3A_115 = arith.constant 32 : i32
        %mul3A_116 = arith.muli %sub3A_114, %mul3A_115 : i32
        %add3A_117 = arith.constant 0 : i32
        %add3A_118 = arith.addi %mul3A_116, %add3A_117 : i32
        %get3A_119 = arith.index_cast %add3A_118 : i32 to index
        %get3A_120 = tpu.vector_load %arg7[%get3A_119] {strides = array<i32>} : memref<4096xi32, #tpu.memory_space<vmem>>, vector<16xi32>,
        %get3A_121 = arith.constant 0 : index
        %get3A_122 = tpu.vector_load %arg8[%get3A_121] {strides = array<i32>} : memref<32xi32, #tpu.memory_space<vmem>>, vector<16xi32>,
        %get3A_123 = arith.constant 0 : index
        %get3A_124 = tpu.vector_load %arg9[%get3A_123] {strides = array<i32>} : memref<32xi32, #tpu.memory_space<vmem>>, vector<16xi32>,
        %ge3A_125 = arith.constant 0 : i32
        %ge3A_126 = vector.broadcast %ge3A_125 : i32 to vector<16xi32>
        %ge3A_127 = arith.cmpi sge, %get3A_120, %ge3A_126 : vector<16xi32>
        tpu.vector_store_idx %arg10[%get3A_122, %get3A_124, %get3A_120], %broadcast_in_dim3A_5 masked %ge3A_127 : memref<1x26x1000xf32, #tpu.memory_space<vmem>>[vector<16xi32>, vector<16xi32>, vector<16xi32>], vector<16xf32>, vector<16xi1>
        %mul3A_128 = arith.constant 32 : i32
        %mul3A_129 = arith.muli %sub3A_114, %mul3A_128 : i32
        %add3A_130 = arith.constant 16 : i32
        %add3A_131 = arith.addi %mul3A_129, %add3A_130 : i32
        %get3A_132 = arith.index_cast %add3A_131 : i32 to index
        %get3A_133 = tpu.vector_load %arg7[%get3A_132] {strides = array<i32>} : memref<4096xi32, #tpu.memory_space<vmem>>, vector<16xi32>,
        %get3A_134 = arith.constant 16 : index
        %get3A_135 = tpu.vector_load %arg8[%get3A_134] {strides = array<i32>} : memref<32xi32, #tpu.memory_space<vmem>>, vector<16xi32>,
        %get3A_136 = arith.constant 16 : index
        %get3A_137 = tpu.vector_load %arg9[%get3A_136] {strides = array<i32>} : memref<32xi32, #tpu.memory_space<vmem>>, vector<16xi32>,
        %ge3A_138 = arith.constant 0 : i32
        %ge3A_139 = vector.broadcast %ge3A_138 : i32 to vector<16xi32>
        %ge3A_140 = arith.cmpi sge, %get3A_133, %ge3A_139 : vector<16xi32>
        tpu.vector_store_idx %arg10[%get3A_135, %get3A_137, %get3A_133], %broadcast_in_dim3A_5 masked %ge3A_140 : memref<1x26x1000xf32, #tpu.memory_space<vmem>>[vector<16xi32>, vector<16xi32>, vector<16xi32>], vector<16xf32>, vector<16xi1>
      } else {
      }
      %mul3A_31 = arith.constant 32 : i32
      %mul3A_32 = arith.muli %add3A_28, %mul3A_31 : i32
      %add3A_33 = arith.constant 0 : i32
      %add3A_34 = arith.addi %mul3A_32, %add3A_33 : i32
      %get3A = arith.index_cast %add3A_34 : i32 to index
      %get3A_35 = tpu.vector_load %arg7[%get3A] {strides = array<i32>} : memref<4096xi32, #tpu.memory_space<vmem>>, vector<16xi32>,
      %get3A_36 = arith.constant 0 : index
      %get3A_37 = tpu.vector_load %arg8[%get3A_36] {strides = array<i32>} : memref<32xi32, #tpu.memory_space<vmem>>, vector<16xi32>,
      %get3A_38 = arith.constant 0 : index
      %get3A_39 = tpu.vector_load %arg9[%get3A_38] {strides = array<i32>} : memref<32xi32, #tpu.memory_space<vmem>>, vector<16xi32>,
      %ge3A_40 = arith.constant 0 : i32
      %ge3A_41 = vector.broadcast %ge3A_40 : i32 to vector<16xi32>
      %ge3A_42 = arith.cmpi sge, %get3A_35, %ge3A_41 : vector<16xi32>
      tpu.vector_store_idx %arg10[%get3A_37, %get3A_39, %get3A_35], %broadcast_in_dim3A_3 masked %ge3A_42 : memref<1x26x1000xf32, #tpu.memory_space<vmem>>[vector<16xi32>, vector<16xi32>, vector<16xi32>], vector<16xf32>, vector<16xi1>
      %mul3A_43 = arith.constant 32 : i32
      %mul3A_44 = arith.muli %add3A_28, %mul3A_43 : i32
      %add3A_45 = arith.constant 16 : i32
      %add3A_46 = arith.addi %mul3A_44, %add3A_45 : i32
      %get3A_47 = arith.index_cast %add3A_46 : i32 to index
      %get3A_48 = tpu.vector_load %arg7[%get3A_47] {strides = array<i32>} : memref<4096xi32, #tpu.memory_space<vmem>>, vector<16xi32>,
      %get3A_49 = arith.constant 16 : index
      %get3A_50 = tpu.vector_load %arg8[%get3A_49] {strides = array<i32>} : memref<32xi32, #tpu.memory_space<vmem>>, vector<16xi32>,
      %get3A_51 = arith.constant 16 : index
      %get3A_52 = tpu.vector_load %arg9[%get3A_51] {strides = array<i32>} : memref<32xi32, #tpu.memory_space<vmem>>, vector<16xi32>,
      %ge3A_53 = arith.constant 0 : i32
      %ge3A_54 = vector.broadcast %ge3A_53 : i32 to vector<16xi32>
      %ge3A_55 = arith.cmpi sge, %get3A_48, %ge3A_54 : vector<16xi32>
      tpu.vector_store_idx %arg10[%get3A_50, %get3A_52, %get3A_48], %broadcast_in_dim3A_3 masked %ge3A_55 : memref<1x26x1000xf32, #tpu.memory_space<vmem>>[vector<16xi32>, vector<16xi32>, vector<16xi32>], vector<16xf32>, vector<16xi1>
      %mul3A_56 = arith.constant 1 : i32
      %mul3A_57 = arith.muli %add3A_28, %mul3A_56 : i32
      %add3A_58 = arith.addi %mul3A_7, %mul3A_57 : i32
      %dma_start3A = arith.constant 0 : i32
      %dma_start3A_59 = arith.constant 0 : i32
      %dma_start3A_60 = tpu.memref_slice %arg6[%add3A_58, %dma_start3A, %dma_start3A_59] : memref<4096x26x1000xf32, #tpu.memory_space<hbm>> -> memref<1x26x1000xf32, #tpu.memory_space<hbm>>
      %dma_start3A_61 = arith.constant 0 : i32
      %dma_start3A_62 = arith.constant 0 : i32
      %dma_start3A_63 = tpu.memref_slice %arg6[%add3A_58, %dma_start3A_61, %dma_start3A_62] : memref<4096x26x1000xf32, #tpu.memory_space<hbm>> -> memref<1x26x1000xf32, #tpu.memory_space<hbm>>
      tpu.enqueue_dma source(%arg10 : memref<1x26x1000xf32, #tpu.memory_space<vmem>>) target(%dma_start3A_63 : memref<1x26x1000xf32, #tpu.memory_space<hbm>>) target_semaphore(%arg12 : memref<!tpu.dma_semaphore, #tpu.memory_space<semaphore_mem>>)
      %mul3A_64 = arith.constant 2 : i32
      %mul3A_65 = arith.muli %mul3A_64, %scan3A_24 : i32
      %add3A_66 = arith.constant 1 : i32
      %add3A_67 = arith.addi %mul3A_65, %add3A_66 : i32
      %ge3A_68 = arith.constant 1 : i32
      %ge3A_69 = arith.cmpi sge, %scan3A_24, %ge3A_68 : i32
      %convert_element_type3A_70 = arith.extui %ge3A_69 : i1 to i32
      %cond3A_71 = arith.constant 0 : i32
      %cond3A_72 = arith.cmpi ne, %convert_element_type3A_70, %cond3A_71 : i32
      scf.if %cond3A_72 {
        %dma_wait3A_108 = arith.constant 0 : i32
        %dma_wait3A_109 = arith.constant 0 : i32
        %dma_wait3A_110 = tpu.memref_slice %arg6[%mul3A_7, %dma_wait3A_108, %dma_wait3A_109] : memref<4096x26x1000xf32, #tpu.memory_space<hbm>> -> memref<1x26x1000xf32, #tpu.memory_space<hbm>>
        %dma_wait3A_111 = arith.constant 0 : i32
        %dma_wait3A_112 = arith.constant 0 : i32
        %dma_wait3A_113 = tpu.memref_slice %arg6[%mul3A_7, %dma_wait3A_111, %dma_wait3A_112] : memref<4096x26x1000xf32, #tpu.memory_space<hbm>> -> memref<1x26x1000xf32, #tpu.memory_space<hbm>>
        tpu.wait_dma2 semaphore(%arg13 : memref<!tpu.dma_semaphore, #tpu.memory_space<semaphore_mem>>) src(%arg11 : memref<1x26x1000xf32, #tpu.memory_space<vmem>>) dst(%dma_wait3A_113 : memref<1x26x1000xf32, #tpu.memory_space<hbm>>)
        %sub3A = arith.constant 2 : i32
        %sub3A_114 = arith.subi %add3A_67, %sub3A : i32
        %mul3A_115 = arith.constant 32 : i32
        %mul3A_116 = arith.muli %sub3A_114, %mul3A_115 : i32
        %add3A_117 = arith.constant 0 : i32
        %add3A_118 = arith.addi %mul3A_116, %add3A_117 : i32
        %get3A_119 = arith.index_cast %add3A_118 : i32 to index
        %get3A_120 = tpu.vector_load %arg7[%get3A_119] {strides = array<i32>} : memref<4096xi32, #tpu.memory_space<vmem>>, vector<16xi32>,
        %get3A_121 = arith.constant 0 : index
        %get3A_122 = tpu.vector_load %arg8[%get3A_121] {strides = array<i32>} : memref<32xi32, #tpu.memory_space<vmem>>, vector<16xi32>,
        %get3A_123 = arith.constant 0 : index
        %get3A_124 = tpu.vector_load %arg9[%get3A_123] {strides = array<i32>} : memref<32xi32, #tpu.memory_space<vmem>>, vector<16xi32>,
        %ge3A_125 = arith.constant 0 : i32
        %ge3A_126 = vector.broadcast %ge3A_125 : i32 to vector<16xi32>
        %ge3A_127 = arith.cmpi sge, %get3A_120, %ge3A_126 : vector<16xi32>
        tpu.vector_store_idx %arg11[%get3A_122, %get3A_124, %get3A_120], %broadcast_in_dim3A_5 masked %ge3A_127 : memref<1x26x1000xf32, #tpu.memory_space<vmem>>[vector<16xi32>, vector<16xi32>, vector<16xi32>], vector<16xf32>, vector<16xi1>
        %mul3A_128 = arith.constant 32 : i32
        %mul3A_129 = arith.muli %sub3A_114, %mul3A_128 : i32
        %add3A_130 = arith.constant 16 : i32
        %add3A_131 = arith.addi %mul3A_129, %add3A_130 : i32
        %get3A_132 = arith.index_cast %add3A_131 : i32 to index
        %get3A_133 = tpu.vector_load %arg7[%get3A_132] {strides = array<i32>} : memref<4096xi32, #tpu.memory_space<vmem>>, vector<16xi32>,
        %get3A_134 = arith.constant 16 : index
        %get3A_135 = tpu.vector_load %arg8[%get3A_134] {strides = array<i32>} : memref<32xi32, #tpu.memory_space<vmem>>, vector<16xi32>,
        %get3A_136 = arith.constant 16 : index
        %get3A_137 = tpu.vector_load %arg9[%get3A_136] {strides = array<i32>} : memref<32xi32, #tpu.memory_space<vmem>>, vector<16xi32>,
        %ge3A_138 = arith.constant 0 : i32
        %ge3A_139 = vector.broadcast %ge3A_138 : i32 to vector<16xi32>
        %ge3A_140 = arith.cmpi sge, %get3A_133, %ge3A_139 : vector<16xi32>
        tpu.vector_store_idx %arg11[%get3A_135, %get3A_137, %get3A_133], %broadcast_in_dim3A_5 masked %ge3A_140 : memref<1x26x1000xf32, #tpu.memory_space<vmem>>[vector<16xi32>, vector<16xi32>, vector<16xi32>], vector<16xf32>, vector<16xi1>
      } else {
      }
      %mul3A_73 = arith.constant 32 : i32
      %mul3A_74 = arith.muli %add3A_67, %mul3A_73 : i32
      %add3A_75 = arith.constant 0 : i32
      %add3A_76 = arith.addi %mul3A_74, %add3A_75 : i32
      %get3A_77 = arith.index_cast %add3A_76 : i32 to index
      %get3A_78 = tpu.vector_load %arg7[%get3A_77] {strides = array<i32>} : memref<4096xi32, #tpu.memory_space<vmem>>, vector<16xi32>,
      %get3A_79 = arith.constant 0 : index
      %get3A_80 = tpu.vector_load %arg8[%get3A_79] {strides = array<i32>} : memref<32xi32, #tpu.memory_space<vmem>>, vector<16xi32>,
      %get3A_81 = arith.constant 0 : index
      %get3A_82 = tpu.vector_load %arg9[%get3A_81] {strides = array<i32>} : memref<32xi32, #tpu.memory_space<vmem>>, vector<16xi32>,
      %ge3A_83 = arith.constant 0 : i32
      %ge3A_84 = vector.broadcast %ge3A_83 : i32 to vector<16xi32>
      %ge3A_85 = arith.cmpi sge, %get3A_78, %ge3A_84 : vector<16xi32>
      tpu.vector_store_idx %arg11[%get3A_80, %get3A_82, %get3A_78], %broadcast_in_dim3A_3 masked %ge3A_85 : memref<1x26x1000xf32, #tpu.memory_space<vmem>>[vector<16xi32>, vector<16xi32>, vector<16xi32>], vector<16xf32>, vector<16xi1>
      %mul3A_86 = arith.constant 32 : i32
      %mul3A_87 = arith.muli %add3A_67, %mul3A_86 : i32
      %add3A_88 = arith.constant 16 : i32
      %add3A_89 = arith.addi %mul3A_87, %add3A_88 : i32
      %get3A_90 = arith.index_cast %add3A_89 : i32 to index
      %get3A_91 = tpu.vector_load %arg7[%get3A_90] {strides = array<i32>} : memref<4096xi32, #tpu.memory_space<vmem>>, vector<16xi32>,
      %get3A_92 = arith.constant 16 : index
      %get3A_93 = tpu.vector_load %arg8[%get3A_92] {strides = array<i32>} : memref<32xi32, #tpu.memory_space<vmem>>, vector<16xi32>,
      %get3A_94 = arith.constant 16 : index
      %get3A_95 = tpu.vector_load %arg9[%get3A_94] {strides = array<i32>} : memref<32xi32, #tpu.memory_space<vmem>>, vector<16xi32>,
      %ge3A_96 = arith.constant 0 : i32
      %ge3A_97 = vector.broadcast %ge3A_96 : i32 to vector<16xi32>
      %ge3A_98 = arith.cmpi sge, %get3A_91, %ge3A_97 : vector<16xi32>
      tpu.vector_store_idx %arg11[%get3A_93, %get3A_95, %get3A_91], %broadcast_in_dim3A_3 masked %ge3A_98 : memref<1x26x1000xf32, #tpu.memory_space<vmem>>[vector<16xi32>, vector<16xi32>, vector<16xi32>], vector<16xf32>, vector<16xi1>
      %mul3A_99 = arith.constant 1 : i32
      %mul3A_100 = arith.muli %add3A_67, %mul3A_99 : i32
      %add3A_101 = arith.addi %mul3A_7, %mul3A_100 : i32
      %dma_start3A_102 = arith.constant 0 : i32
      %dma_start3A_103 = arith.constant 0 : i32
      %dma_start3A_104 = tpu.memref_slice %arg6[%add3A_101, %dma_start3A_102, %dma_start3A_103] : memref<4096x26x1000xf32, #tpu.memory_space<hbm>> -> memref<1x26x1000xf32, #tpu.memory_space<hbm>>
      %dma_start3A_105 = arith.constant 0 : i32
      %dma_start3A_106 = arith.constant 0 : i32
      %dma_start3A_107 = tpu.memref_slice %arg6[%add3A_101, %dma_start3A_105, %dma_start3A_106] : memref<4096x26x1000xf32, #tpu.memory_space<hbm>> -> memref<1x26x1000xf32, #tpu.memory_space<hbm>>
      tpu.enqueue_dma source(%arg11 : memref<1x26x1000xf32, #tpu.memory_space<vmem>>) target(%dma_start3A_107 : memref<1x26x1000xf32, #tpu.memory_space<hbm>>) target_semaphore(%arg13 : memref<!tpu.dma_semaphore, #tpu.memory_space<semaphore_mem>>)
    }
    %scan3A_12 = arith.constant 64 : i32
    %dma_wait3A = arith.constant 0 : i32
    %dma_wait3A_13 = arith.constant 0 : i32
    %dma_wait3A_14 = tpu.memref_slice %arg6[%mul3A_7, %dma_wait3A, %dma_wait3A_13] : memref<4096x26x1000xf32, #tpu.memory_space<hbm>> -> memref<1x26x1000xf32, #tpu.memory_space<hbm>>
    %dma_wait3A_15 = arith.constant 0 : i32
    %dma_wait3A_16 = arith.constant 0 : i32
    %dma_wait3A_17 = tpu.memref_slice %arg6[%mul3A_7, %dma_wait3A_15, %dma_wait3A_16] : memref<4096x26x1000xf32, #tpu.memory_space<hbm>> -> memref<1x26x1000xf32, #tpu.memory_space<hbm>>
    tpu.wait_dma2 semaphore(%arg12 : memref<!tpu.dma_semaphore, #tpu.memory_space<semaphore_mem>>) src(%arg10 : memref<1x26x1000xf32, #tpu.memory_space<vmem>>) dst(%dma_wait3A_17 : memref<1x26x1000xf32, #tpu.memory_space<hbm>>)
    %dma_wait3A_18 = arith.constant 0 : i32
    %dma_wait3A_19 = arith.constant 0 : i32
    %dma_wait3A_20 = tpu.memref_slice %arg6[%mul3A_7, %dma_wait3A_18, %dma_wait3A_19] : memref<4096x26x1000xf32, #tpu.memory_space<hbm>> -> memref<1x26x1000xf32, #tpu.memory_space<hbm>>
    %dma_wait3A_21 = arith.constant 0 : i32
    %dma_wait3A_22 = arith.constant 0 : i32
    %dma_wait3A_23 = tpu.memref_slice %arg6[%mul3A_7, %dma_wait3A_21, %dma_wait3A_22] : memref<4096x26x1000xf32, #tpu.memory_space<hbm>> -> memref<1x26x1000xf32, #tpu.memory_space<hbm>>
    tpu.wait_dma2 semaphore(%arg13 : memref<!tpu.dma_semaphore, #tpu.memory_space<semaphore_mem>>) src(%arg11 : memref<1x26x1000xf32, #tpu.memory_space<vmem>>) dst(%dma_wait3A_23 : memref<1x26x1000xf32, #tpu.memory_space<hbm>>)
    return
  }
}

</mosaic_0001>

<sc_bundles>
// kernel: _one_hot_sc.3.cloned.1.call-start
scs
__scs_entry_jumppad:
0x0: {  	(pc) =	sbr.rel $0x88, $3  }
0x1: {  	(tag) =	ssettag $0x0;
	lr =	simm.s32 $0x1  }
0x2: {  	[smem:$0x3F9D] =	sst lr;
	_ =	strace $0xD0000000  }
0x3: {  	_ = 	snop  }
0x4: {  	_ = 	snop  }
0x5: {  	_ = 	snop  }
0x6: {  	_ = 	snop  }
0x7: {  	_ = 	snop  }
__scs_overlays_trampoline_lowered:
0x8: {  	[smem:$0x3FAC] =	sst s0  }
0x9: {  	[smem:$0x3FAD] =	sst s1  }
0xa: {  	[smem:$0x3FAE] =	sst s2  }
0xb: {  	[smem:$0x3FAF] =	sst s3  }
0xc: {  	[smem:$0x3FB0] =	sst s4  }
0xd: {  	[smem:$0x3FB1] =	sst s5  }
0xe: {  	[smem:$0x3FB2] =	sst s6  }
0xf: {  	[smem:$0x3FB3] =	sst s7  }
0x10: {  	[smem:$0x3FB4] =	sst s8  }
0x11: {  	[smem:$0x3FB5] =	sst s9;
	s0 =	simm.s32 @!p0 $0x0  }
0x12: {  	s1 =	sld [smem:$0x3F9B];
	s0 =	simm.s32 @p0 $0x1  }
0x13: {  	[smem:$0x3FB6] =	sst s0;
	s0 =	simm.s32 @!p1 $0x0  }
0x14: {  	s2 =	sld [smem:$0x3F9A];
	s0 =	simm.s32 @p1 $0x1  }
0x15: {  	[smem:$0x3FB7] =	sst s0;
	s0 =	simm.s32 @!p2 $0x0  }
0x16: {  	s3 =	sld [smem:$0x3FDB];
	s0 =	simm.s32 @p2 $0x1  }
0x17: {  	s4 =	simm.s32 $0x1BF5;
	[smem:$0x3FB9] =	sst s0  }
0x18: {  	s0 =	sld [smem:$0x3F9C];
	_ =	swait.ge [sflag:s4], $0x0  }
0x19: {  	s7 =	sld [smem:$0x3F9D]  }
0x1a: {  	s8 =	sadd.s32 $0xFFFFE003, lr  }
0x1b: {  	s9 =	sadd.s32 $0xFFFFFEF7, lr;
	s5 =	simm.s32 $0xFFFFFFFF;
	p2 =	slt.u32 s8, $0xFFFFF086  }
0x1c: {  	p1 =	slt.u32 s9, $0xF7A;
	s5 =	simm.s32 @!p2 $0x0  }
0x1d: {  	s5 =	simm.s32 @p1 $0x1;
	p0 =	seq.s32 s7, s2  }
0x1e: {  	s7 =	smul.u32 @!p0 $0xF7A, s2;
	p2 =	seq.s32 @!p0 s5, $0x0  }
0x1f: {  	s9 =	smul.u32 $0xF7A, s1;
	s8 =	simm.s32 @!p0 $0x1BF5;
	p2 =	por !p2, p0  }
0x20: {  	[sflag:s8] =	ssyncset.s32 @!p0 $0xFFFFF086;
	s6 =	sadd.s32 @!p0 s3, s7;
	s7 =	simm.s32 @!p0 $0x108  }
0x21: {  	s3 =	sadd.s32 s3, s9;
	s6 =	sadd.s32 @!p0 $0x88, s6;
	s7 =	simm.s32 @p2 $0x1082  }
0x22: {  	[simem:s7], [sflag:s8] =	dma.local @!p0 [hbm:s6], $0xF7A  }
0x23: {  	s9 =	sor.u32 $0xD0000000, s2;
	s6 =	simm.s32 $0x108;
	_ =	swait.ge @!p0 [sflag:s8], $0x0  }
0x24: {  	s3 =	sadd.s32 $0x88, s3;
	s6 =	simm.s32 @!p1 $0x1082;
	[sflag:s4] =	ssyncset.s32 $0xFFFFF086  }
0x25: {  	[simem:s6], [sflag:s4] =	dma.local [hbm:s3], $0xF7A  }
0x26: {  	[smem:$0x3F9D] =	sst s1;
	(tag) =	ssettag s2;
	_ =	strace s9  }
0x27: {  	s1 =	sld [smem:$0x3FAD]  }
0x28: {  	s2 =	sld [smem:$0x3FAE]  }
0x29: {  	s4 =	sld [smem:$0x3FB0]  }
0x2a: {  	p0 =	seq.s32 s5, $0x0;
	s5 =	sld [smem:$0x3FB1]  }
0x2b: {  	s6 =	sld [smem:$0x3FB2]  }
0x2c: {  	s7 =	sld [smem:$0x3FB3]  }
0x2d: {  	s3 =	simm.s32 $0x108;
	s8 =	sld [smem:$0x3FB4]  }
0x2e: {  	s3 =	simm.s32 @!p0 $0x1082;
	s9 =	sld [smem:$0x3FB5]  }
0x2f: {  	lr =	sadd.s32 s0, s3;
	s0 =	sld [smem:$0x3FAC]  }
0x30: {  	s3 =	sld [smem:$0x3FAF]  }
0x31: {  	[smem:$0x3FB8] =	sst s10  }
0x32: {  	s10 =	sld [smem:$0x3FB6];
	_ =	sdelay $0x3  }
0x33: {  	p0 =	seq.s32 s10, $0x1;
	s10 =	sld [smem:$0x3FB8];
	_ =	sdelay $0x3  }
0x34: {  	[smem:$0x3FB8] =	sst s10  }
0x35: {  	s10 =	sld [smem:$0x3FB7];
	_ =	sdelay $0x3  }
0x36: {  	p1 =	seq.s32 s10, $0x1;
	s10 =	sld [smem:$0x3FB8];
	_ =	sdelay $0x3  }
0x37: {  	[smem:$0x3FB8] =	sst s10  }
0x38: {  	s10 =	sld [smem:$0x3FB9]  }
0x39: {  	_ = 	snop;
	(pc) =	sbr.ind lr, $3  }
0x3a: {  	_ = 	snop  }
0x3b: {  	_ = 	snop  }
0x3c: {  	p2 =	seq.s32 s10, $0x1;
	s10 =	sld [smem:$0x3FB8]  }
0x3d: {  	_ =	shalt  }
0x3e: {  	_ =	shalt  }
0x3f: {  	_ =	shalt  }
0x40: {  	_ =	shalt  }
0x41: {  	_ =	shalt  }
0x42: {  	_ =	shalt  }
0x43: {  	_ =	shalt  }
0x44: {  	_ =	shalt  }
0x45: {  	_ =	shalt  }
0x46: {  	_ =	shalt  }
0x47: {  	_ =	shalt  }
0x48: {  	_ =	shalt  }
0x49: {  	_ =	shalt  }
0x4a: {  	_ =	shalt  }
0x4b: {  	_ =	shalt  }
0x4c: {  	_ =	shalt  }
0x4d: {  	_ =	shalt  }
0x4e: {  	_ =	shalt  }
0x4f: {  	_ =	shalt  }
0x50: {  	_ =	shalt  }
0x51: {  	_ =	shalt  }
0x52: {  	_ =	shalt  }
0x53: {  	_ =	shalt  }
0x54: {  	_ =	shalt  }
0x55: {  	_ =	shalt  }
0x56: {  	_ =	shalt  }
0x57: {  	_ =	shalt  }
0x58: {  	_ =	shalt  }
0x59: {  	_ =	shalt  }
0x5a: {  	_ =	shalt  }
0x5b: {  	_ =	shalt  }
0x5c: {  	_ =	shalt  }
0x5d: {  	_ =	shalt  }
0x5e: {  	_ =	shalt  }
0x5f: {  	_ =	shalt  }
0x60: {  	_ =	shalt  }
0x61: {  	_ =	shalt  }
0x62: {  	_ =	shalt  }
0x63: {  	_ =	shalt  }
0x64: {  	_ =	shalt  }
0x65: {  	_ =	shalt  }
0x66: {  	_ =	shalt  }
0x67: {  	_ =	shalt  }
0x68: {  	_ =	shalt  }
0x69: {  	_ =	shalt  }
0x6a: {  	_ =	shalt  }
0x6b: {  	_ =	shalt  }
0x6c: {  	_ =	shalt  }
0x6d: {  	_ =	shalt  }
0x6e: {  	_ =	shalt  }
0x6f: {  	_ =	shalt  }
0x70: {  	_ =	shalt  }
0x71: {  	_ =	shalt  }
0x72: {  	_ =	shalt  }
0x73: {  	_ =	shalt  }
0x74: {  	_ =	shalt  }
0x75: {  	_ =	shalt  }
0x76: {  	_ =	shalt  }
0x77: {  	_ =	shalt  }
0x78: {  	_ =	shalt  }
0x79: {  	_ =	shalt  }
0x7a: {  	_ =	shalt  }
0x7b: {  	_ =	shalt  }
0x7c: {  	_ =	shalt  }
0x7d: {  	_ =	shalt  }
0x7e: {  	_ =	shalt  }
0x7f: {  	_ =	shalt  }
0x80: {  	_ =	shalt  }
0x81: {  	_ =	shalt  }
0x82: {  	_ =	shalt  }
0x83: {  	_ =	shalt  }
0x84: {  	_ =	shalt  }
0x85: {  	_ =	shalt  }
0x86: {  	_ =	shalt  }
0x87: {  	_ =	shalt  }
.Lfunc_end0:
.L_simem_size_0:
called_computation_lowered:
.L_overlay_start_0:
0x88: {  	s2 =	sld [smem:$0x3FD9]  }
0x89: {  	s3 =	sld [smem:$0x3FFE];
	_ =	sdelay $0x1  }
0x8a: {  	s1 =	srdreg.scid  }
0x8b: {  	s0 =	sand.u32 $0x1, s1  }
0x8c: {  	s17 =	sshll.u32 s0, $0xA;
	s2 =	sadd.s32 s3, s2  }
0x8d: {  	s2 =	sadd.s32 s2, s17  }
0x8e: {  	[smem:$0x3FC4] =	sst s2  }
0x8f: {  	_ = 	snop  }
0x90: {  	s2 =	sld [smem:$0x3FC9]  }
0x91: {  	s18 =	sld [smem:$0x3FC8]  }
0x92: {  	s4 =	sld [smem:$0x3FC7]  }
0x93: {  	s5 =	sld [smem:$0x3FD0];
	(tm) =	ssettm $0x1  }
0x94: {  	s6 =	sld [smem:$0x3FFB];
	_ =	sdelay $0x3  }
0x95: {  	_ =	strace s6  }
0x96: {  	s6 =	sld [smem:$0x3FFC];
	_ =	sdelay $0x3  }
0x97: {  	_ =	strace s6  }
0x98: {  	s6 =	sld [smem:$0x3FFD];
	_ =	sdelay $0x3  }
0x99: {  	_ =	strace s6  }
0x9a: {  	_ =	strace $0x8FFFFFFF  }
0x9b: {  	s19 =	sld [smem:$0x3FDB];
	_ =	sdelay $0x1  }
0x9c: {  	s7 =	simm.s32 $_scs_section_size  }
0x9d: {  	s8 =	simm.s32 $_size__tile_overlayer_lowered;
	s9 =	simm.s32 $_tile_overlayer_lowered  }
0x9e: {  	s22 =	simm.s32 $0x1BFF;
	s21 =	sshll.u32 s9, $0x1;
	s6 =	sadd.s32 s7, s19  }
0x9f: {  	s10 =	simm.s32 $0x0;
	s20 =	sshll.u32 s8, $0x1;
	s8 =	sadd.s32 s21, s6  }
0xa0: {  	[timem:s10], [sflag:s22] =	dma.local [hbm:s8], s20  }
0xa1: {  	_ =	swait.ge [sflag:s22], s20  }
0xa2: {  	s7 =	ssub.s32 $0x0, s20;
	[sflag:s22] =	ssyncset.done $0x0  }
0xa3: {  	[sflag:s22] =	ssyncadd.s32 s7;
	_ =	sdelay $0x1  }
0xa4: {  	s23 =	simm.s32 $0x1B8B  }
0xa5: {  	_ =	swait.ge [sflag:s23], $0x1  }
0xa6: {  	[sflag:s23] =	ssyncset.done $0x0  }
0xa7: {  	s25 =	simm.s32 $0x1B8E;
	s24 =	sld [smem:$0x3FFE];
	[sflag:s23] =	ssyncadd.s32 $0xFFFFFFFF  }
0xa8: {  	s26 =	simm.s32 $execute0_lowered;
	[smem:$0x3FD2] =	sst s25  }
0xa9: {  	s8 =	sshll.u32 s26, $0x1;
	_ =	strace $0x80000046;
	[dreg:$0x1] =	wrdreg $0xFFFFFFFF  }
0xaa: {  	s28 =	simm.s32 $_size_execute0_lowered;
	s6 =	sadd.s32 s6, s8;
	[dreg:$0x0] =	wrdreg $0x0  }
0xab: {  	s8 =	sshll.u32 s28, $0x1;
	[dreg:$0x2] =	wrdreg s6  }
0xac: {  	[dreg:$0x3] =	wrdreg s8  }
0xad: {  	[dreg:$0x4] =	wrdreg $0xC0  }
0xae: {  	_ =	task [dreg:s10], $0x5FFFF  }
0xaf: {  	[dreg:$0x1] =	wrdreg $0xFFFFFFFF  }
0xb0: {  	[dreg:$0x0] =	wrdreg $0x60  }
0xb1: {  	[dreg:$0x2] =	wrdreg s2  }
0xb2: {  	[dreg:$0x3] =	wrdreg s18  }
0xb3: {  	[dreg:$0x4] =	wrdreg s4  }
0xb4: {  	[dreg:$0x5] =	wrdreg s5  }
0xb5: {  	[dreg:$0x6] =	wrdreg s24  }
0xb6: {  	[dreg:$0x7] =	wrdreg $0x9  }
0xb7: {  	_ =	task.clear_ibuf [dreg:s10], $0x8FFFF;
	_ =	strace $0x90000046  }
0xb8: {  	s29 =	simm.s32 $0x9;
	_ =	strace $0x80000048  }
0xb9: {  	_ =	swait.ge [sflag:s29], $0x1  }
0xba: {  	[sflag:s29] =	ssyncadd.s32 $0xFFFFFFFF  }
0xbb: {  	_ =	strace $0x90000048  }
0xbc: {  	_ =	sfence  }
0xbd: {  	s30 =	sld [smem:$0x0];
	_ =	sdelay $0x2  }
0xbe: {  	s31 =	sshll.u32 s1, $0xD;
	s1 =	sshrl.u32 s1, $0x2  }
0xbf: {  	s3 =	sand.u32 $0x4000, s31;
	s1 =	sadd.s32 s1, s30  }
0xc0: {  	s0 =	sor.u32 s3, s0;
	s1 =	sshll.u32 s1, $0x11  }
0xc1: {  	s0 =	sor.u32 s1, s0  }
0xc2: {  	s0 =	sadd.s32 $0x8F2B, s0  }
0xc3: {  	[sflag:s0] =	ssyncadd.remote.s32 $0x1  }
0xc4: {  	_ =	sfence.sel $0xFFFF  }
0xc5: {  	[dreg:$0x0] =	wrdreg $0xFFFFFFFF;
	(pc) =	sbr.abs _section_cstart, $3  }
0xc6: {  	[dreg:$0x1] =	wrdreg $0xFFFFFFFF  }
0xc7: {  	_ =	task.clear_ibuf [dreg:s10], $0x2FFFF;
	_ =	strace $0x9FFFFFFF  }
0xc8: {  	(tm) =	ssettm $0x7FFFFFFF  }
0xc9: {  	_ =	shalt  }
tec
execute0_lowered:
.L_overlay_start_1:
0x0: {  	(tag) =	ssettag $0x1  }
0x1: {  	s6 =	rddreg [dreg:$0x0]  }
0x2: {  	s1 =	rddreg [dreg:$0x1]  }
0x3: {  	s2 =	rddreg [dreg:$0x2]  }
0x4: {  	s3 =	rddreg [dreg:$0x3]  }
0x5: {  	s5 =	rddreg [dreg:$0x4]  }
0x6: {  	s0 =	rddreg [dreg:$0x5]  }
0x7: {  	s4 =	simm.s32 $0x0;
	s7 =	srdreg.scid;
	s13 =	simm.s32 $0x1100  }
0x8: {  	s14 =	simm.s32 $0x9100;
	s15 =	simm.s32 $0x1;
	s16 =	simm.s32 $0x2  }
0x9: {  	s17 =	simm.s32 $0x0;
	[smem:$0x7FF] =	sst s4;
	s7 =	sand.u32 $0x1, s7  }
0xa: {  	s9 =	sadd.s32 $0x400, s5;
	s5 =	stileid.u32;
	_ =	strace $0x80000047  }
0xb: {  	s8 =	ssub.s32 $0x2, s7;
	s29 =	sshll.u32 s5, $0xA;
	s11 =	sshll.u32 s7, $0x9  }
0xc: {  	s30 =	sshll.u32 s5, $0x14;
	s12 =	sshll.u32 s7, $0x13;
	s10 =	sshrl.u32 s8, $0x1  }
0xd: {  	s31 =	sadd.s32 s30, s9;
	s8 =	ssub.s32 s8, s10;
	s10 =	sor.u32 s11, s29  }
0xe: {  	s11 =	sor.u32 s12, s30;
	s6 =	sadd.s32 s6, s10;
	s7 =	smax.u32 s8, $0x1  }
0xf: {  	s8 =	sadd.s32 s12, s31;
	s9 =	sadd.s32 s11, s9;
	s10 =	simm.s32 $0x3  }
0x10: {  	v0 =	vimm.f32 $1.000000000e+00;
	s11 =	simm.s32 $0x1000;
	s12 =	simm.s32 $0x1080;
	s9 =	sadd.s32 $0x1000, s9  }
.LBB2_1:
0x11: {  	[tilespmem:s4], [sflag:$0x3] =	stream.linear.gather [hbm4b:s6+s4], $0x1000, $0x38;
	[tilespmem:$0x11100] =	vst v63  }
0x12: {  	_ =	swait.ge [sflag:s10], $0x1000  }
0x13: {  	[sflag:s10] =	ssyncset.done $0x0  }
0x14: {  	[sflag:s10] =	ssyncadd.s32 $0xFFFFF000  }
0x15: {  	[tilespmem:s11], [sflag:$0x3] =	stream.linear.gather [hbm4b:s1+s4], $0x80, $0x38;
	[tilespmem:$0x11100] =	vst v63  }
0x16: {  	_ =	swait.ge [sflag:s10], $0x80  }
0x17: {  	[sflag:s10] =	ssyncset.done $0x0  }
0x18: {  	[sflag:s10] =	ssyncadd.s32 $0xFFFFFF80  }
0x19: {  	[tilespmem:s12], [sflag:$0x3] =	stream.linear.gather [hbm4b:s2+s4], $0x80, $0x38;
	[tilespmem:$0x11100] =	vst v63  }
0x1a: {  	_ =	swait.ge [sflag:s10], $0x80  }
0x1b: {  	[sflag:s10] =	ssyncset.done $0x0  }
0x1c: {  	[sflag:s10] =	ssyncadd.s32 $0xFFFFFF80  }
0x1d: {  	[tilespmem:s13], [sflag:$0x3] =	stream.linear.gather [hbm4b:s3+s4], $0x8000, $0x38;
	[tilespmem:$0x11100] =	vst v63  }
0x1e: {  	_ =	swait.ge [sflag:s10], $0x8000  }
0x1f: {  	[sflag:s10] =	ssyncset.done $0x0  }
0x20: {  	[sflag:s10] =	ssyncadd.s32 $0xFFFF8000  }
0x21: {  	[tilespmem:s14], [sflag:$0x3] =	stream.linear.gather [hbm4b:s3+s4], $0x8000, $0x38;
	[tilespmem:$0x11100] =	vst v63  }
0x22: {  	_ =	swait.ge [sflag:s10], $0x8000  }
0x23: {  	s18 =	smov.u32 s9;
	[sflag:s10] =	ssyncset.done $0x0  }
0x24: {  	s19 =	smov.u32 s8;
	s20 =	simm.s32 $0x0;
	[sflag:s10] =	ssyncadd.s32 $0xFFFF8000  }
.LBB2_2:
0x25: {  	p0 =	seq.s32 s20, $0x0  }
0x26: {  	s21 =	simm.s32 @!p0 $0x1  }
0x27: {  	_ =	swait.ge @!p0 [sflag:s21], $0x8000  }
0x28: {  	[sflag:s21] =	ssyncset.done @!p0 $0x0  }
0x29: {  	[sflag:s21] =	ssyncadd.s32 @!p0 $0xFFFF8000;
	s21 =	sshra.s32 @!p0 s20, $0x2  }
0x2a: {  	v1 =	vld @!p0 [tilespmem:s21+$0xFFFFFFC0]  }
0x2b: {  	v2 =	vld @!p0 [tilespmem:$0x1000]  }
0x2c: {  	v3 =	vld @!p0 [tilespmem:$0x1080];
	_ =	sdelay $0x3  }
0x2d: {  	v4 =	vand.u32 @!p0 $0x7F, v1;
	v2 =	vshll.u32 @!p0 v2, $0xF;
	v5 =	vshll.u32 @!p0 v1, $0x3  }
0x2e: {  	v6 =	vshll.u32 @!p0 v3, $0xA;
	v5 =	vand.u32 @!p0 $0xFFFFFC00, v5;
	v2 =	vor.u32 @!p0 v4, v2  }
0x2f: {  	v3 =	vshll.u32 @!p0 v3, $0x7;
	v4 =	vand.u32 @!p0 $0xFFFFE000, v6;
	v2 =	vadd.s32 @!p0 v5, v2  }
0x30: {  	vm0 =	vgt.s32 @!p0 v1, $0xFFFFFFFF;
	v1 =	vand.u32 @!p0 $0x380, v3;
	v2 =	vadd.s32 @!p0 v4, v2  }
0x31: {  	v1 =	vor.u32 @!p0 v1, v2;
	_ =	sdelay $0x3  }
0x32: {  	s22 =	simm.s32 @!p0 $0x1100;
	v2 =	vimm.f32 @!p0 $0.0e+00  }
0x33: {  	[tilespmem:v1+s22+$0x0] =	vst.idx.msk @!p0 vm0, v2  }
0x34: {  	v1 =	vld @!p0 [tilespmem:s21+$0xFFFFFFD0]  }
0x35: {  	v3 =	vld @!p0 [tilespmem:$0x1010]  }
0x36: {  	v4 =	vld @!p0 [tilespmem:$0x1090];
	_ =	sdelay $0x3  }
0x37: {  	v5 =	vand.u32 @!p0 $0x7F, v1;
	v3 =	vshll.u32 @!p0 v3, $0xF;
	v6 =	vshll.u32 @!p0 v1, $0x3  }
0x38: {  	v3 =	vor.u32 @!p0 v5, v3;
	v5 =	vshll.u32 @!p0 v4, $0xA;
	v6 =	vand.u32 @!p0 $0xFFFFFC00, v6  }
0x39: {  	v4 =	vshll.u32 @!p0 v4, $0x7;
	v5 =	vand.u32 @!p0 $0xFFFFE000, v5;
	v3 =	vadd.s32 @!p0 v6, v3  }
0x3a: {  	vm0 =	vgt.s32 @!p0 v1, $0xFFFFFFFF;
	v1 =	vand.u32 @!p0 $0x380, v4;
	v3 =	vadd.s32 @!p0 v5, v3  }
0x3b: {  	v1 =	vor.u32 @!p0 v1, v3;
	_ =	sdelay $0x2  }
0x3c: {  	s21 =	smov.u32 s20  }
0x3d: {  	s21 =	simm.s32 @p0 $0x0  }
0x3e: {  	s21 =	sshra.s32 s21, $0x2;
	[tilespmem:v1+s22+$0x0] =	vst.idx.msk @!p0 vm0, v2  }
0x3f: {  	v1 =	vld [tilespmem:s21+$0x0]  }
0x40: {  	v3 =	vld [tilespmem:$0x1000]  }
0x41: {  	v48 =	vld [tilespmem:$0x1080];
	_ =	sdelay $0x3  }
0x42: {  	v49 =	vand.u32 $0x7F, v1;
	v3 =	vshll.u32 v3, $0xF;
	v50 =	vshll.u32 v1, $0x3  }
0x43: {  	v51 =	vshll.u32 v48, $0xA;
	v3 =	vor.u32 v49, v3;
	v6 =	vand.u32 $0xFFFFFC00, v50  }
0x44: {  	v4 =	vshll.u32 v48, $0x7;
	v5 =	vand.u32 $0xFFFFE000, v51;
	v3 =	vadd.s32 v6, v3  }
0x45: {  	vm12 =	vgt.s32 v1, $0xFFFFFFFF;
	v1 =	vand.u32 $0x380, v4;
	v3 =	vadd.s32 v5, v3  }
0x46: {  	v1 =	vor.u32 v1, v3;
	_ =	sdelay $0x4  }
0x47: {  	[tilespmem:v1+s13+$0x0] =	vst.idx.msk vm12, v0  }
0x48: {  	v1 =	vld [tilespmem:s21+$0x10]  }
0x49: {  	v3 =	vld [tilespmem:$0x1010]  }
0x4a: {  	v52 =	vld [tilespmem:$0x1090];
	_ =	sdelay $0x3  }
0x4b: {  	v53 =	vand.u32 $0x7F, v1;
	v3 =	vshll.u32 v3, $0xF;
	v54 =	vshll.u32 v1, $0x3  }
0x4c: {  	v55 =	vshll.u32 v52, $0xA;
	v3 =	vor.u32 v53, v3;
	v6 =	vand.u32 $0xFFFFFC00, v54  }
0x4d: {  	v4 =	vshll.u32 v52, $0x7;
	v5 =	vand.u32 $0xFFFFE000, v55;
	v3 =	vadd.s32 v6, v3  }
0x4e: {  	vm13 =	vgt.s32 v1, $0xFFFFFFFF;
	v1 =	vand.u32 $0x380, v4;
	v3 =	vadd.s32 v5, v3  }
0x4f: {  	v1 =	vor.u32 v1, v3;
	_ =	sdelay $0x4  }
0x50: {  	s22 =	simm.s32 @!p0 $0x2;
	[tilespmem:v1+s13+$0x0] =	vst.idx.msk vm13, v0  }
0x51: {  	[hbm4b:s19+s4] =	stream.linear.scatter [tilespmem:s13], [sflag:$0x1], $0x8000, $0x38;
	[tilespmem:$0x11100] =	vst v63  }
0x52: {  	_ =	swait.ge @!p0 [sflag:s22], $0x8000  }
0x53: {  	[sflag:s22] =	ssyncset.done @!p0 $0x0  }
0x54: {  	[sflag:s22] =	ssyncadd.s32 @!p0 $0xFFFF8000  }
0x55: {  	v1 =	vld @!p0 [tilespmem:s21+$0xFFFFFFE0]  }
0x56: {  	v3 =	vld @!p0 [tilespmem:$0x1000]  }
0x57: {  	v4 =	vld @!p0 [tilespmem:$0x1080];
	_ =	sdelay $0x3  }
0x58: {  	v5 =	vand.u32 @!p0 $0x7F, v1;
	v3 =	vshll.u32 @!p0 v3, $0xF;
	v6 =	vshll.u32 @!p0 v1, $0x3  }
0x59: {  	v3 =	vor.u32 @!p0 v5, v3;
	v5 =	vshll.u32 @!p0 v4, $0xA;
	v6 =	vand.u32 @!p0 $0xFFFFFC00, v6  }
0x5a: {  	v4 =	vshll.u32 @!p0 v4, $0x7;
	v5 =	vand.u32 @!p0 $0xFFFFE000, v5;
	v3 =	vadd.s32 @!p0 v6, v3  }
0x5b: {  	vm0 =	vgt.s32 @!p0 v1, $0xFFFFFFFF;
	v1 =	vand.u32 @!p0 $0x380, v4;
	v3 =	vadd.s32 @!p0 v5, v3  }
0x5c: {  	v1 =	vor.u32 @!p0 v1, v3;
	_ =	sdelay $0x3  }
0x5d: {  	s22 =	simm.s32 @!p0 $0x9100  }
0x5e: {  	[tilespmem:v1+s22+$0x0] =	vst.idx.msk @!p0 vm0, v2  }
0x5f: {  	v1 =	vld @!p0 [tilespmem:s21+$0xFFFFFFF0]  }
0x60: {  	v3 =	vld @!p0 [tilespmem:$0x1010]  }
0x61: {  	v4 =	vld @!p0 [tilespmem:$0x1090];
	_ =	sdelay $0x3  }
0x62: {  	v5 =	vand.u32 @!p0 $0x7F, v1;
	v3 =	vshll.u32 @!p0 v3, $0xF;
	v6 =	vshll.u32 @!p0 v1, $0x3  }
0x63: {  	v3 =	vor.u32 @!p0 v5, v3;
	v5 =	vshll.u32 @!p0 v4, $0xA;
	v6 =	vand.u32 @!p0 $0xFFFFFC00, v6  }
0x64: {  	v4 =	vshll.u32 @!p0 v4, $0x7;
	v5 =	vand.u32 @!p0 $0xFFFFE000, v5;
	v3 =	vadd.s32 @!p0 v6, v3  }
0x65: {  	vm0 =	vgt.s32 @!p0 v1, $0xFFFFFFFF;
	v1 =	vand.u32 @!p0 $0x380, v4;
	v3 =	vadd.s32 @!p0 v5, v3  }
0x66: {  	v1 =	vor.u32 @!p0 v1, v3;
	_ =	sdelay $0x4  }
0x67: {  	s31 =	sshra.s32 s20, $0x2;
	[tilespmem:v1+s22+$0x0] =	vst.idx.msk @!p0 vm0, v2  }
0x68: {  	v1 =	vld [tilespmem:s31+$0x20]  }
0x69: {  	v2 =	vld [tilespmem:$0x1000]  }
0x6a: {  	v3 =	vld [tilespmem:$0x1080];
	_ =	sdelay $0x3  }
0x6b: {  	v56 =	vand.u32 $0x7F, v1;
	v2 =	vshll.u32 v2, $0xF;
	v57 =	vshll.u32 v1, $0x3  }
0x6c: {  	v58 =	vshll.u32 v3, $0xA;
	v5 =	vand.u32 $0xFFFFFC00, v57;
	v2 =	vor.u32 v56, v2  }
0x6d: {  	v3 =	vshll.u32 v3, $0x7;
	v59 =	vand.u32 $0xFFFFE000, v58;
	v2 =	vadd.s32 v5, v2  }
0x6e: {  	vm14 =	vgt.s32 v1, $0xFFFFFFFF;
	v1 =	vand.u32 $0x380, v3;
	v2 =	vadd.s32 v59, v2  }
0x6f: {  	v1 =	vor.u32 v1, v2;
	_ =	sdelay $0x4  }
0x70: {  	[tilespmem:v1+s14+$0x0] =	vst.idx.msk vm14, v0  }
0x71: {  	v1 =	vld [tilespmem:s31+$0x30]  }
0x72: {  	v2 =	vld [tilespmem:$0x1010]  }
0x73: {  	v3 =	vld [tilespmem:$0x1090];
	_ =	sdelay $0x3  }
0x74: {  	v60 =	vand.u32 $0x7F, v1;
	v2 =	vshll.u32 v2, $0xF;
	v61 =	vshll.u32 v1, $0x3  }
0x75: {  	v62 =	vshll.u32 v3, $0xA;
	v5 =	vand.u32 $0xFFFFFC00, v61;
	v2 =	vor.u32 v60, v2  }
0x76: {  	v3 =	vshll.u32 v3, $0x7;
	v63 =	vand.u32 $0xFFFFE000, v62;
	v2 =	vadd.s32 v5, v2  }
0x77: {  	vm15 =	vgt.s32 v1, $0xFFFFFFFF;
	v1 =	vand.u32 $0x380, v3;
	v2 =	vadd.s32 v63, v2  }
0x78: {  	v1 =	vor.u32 v1, v2  }
0x79: {  	s20 =	sadd.s32 $0x100, s20  }
0x7a: {  	p0 =	sne.s32 s20, $0x4000  }
.Ltmp0:
0x7b: {  	_ = 	snop;
	(pc) =	sbr.rel @p0 .LBB2_2-.Ltmp0, $4  }
0x7c: {  	_ = 	snop  }
0x7d: {  	[tilespmem:v1+s14+$0x0] =	vst.idx.msk vm15, v0  }
0x7e: {  	[hbm4b:s18+s4] =	stream.linear.scatter [tilespmem:s14], [sflag:$0x2], $0x8000, $0x38;
	[tilespmem:$0x11100] =	vst v63  }
0x7f: {  	s19 =	sadd.s32 $0x2000, s19;
	s18 =	sadd.s32 $0x2000, s18  }
0x80: {  	s17 =	sadd.s32 $0x1, s17  }
0x81: {  	_ =	swait.ge [sflag:s15], $0x8000;
	p0 =	sne.s32 s17, s7  }
.Ltmp1:
0x82: {  	[sflag:s15] =	ssyncset.done $0x0;
	(pc) =	sbr.rel @p0 .LBB2_1-.Ltmp1, $4  }
0x83: {  	[sflag:s15] =	ssyncadd.s32 $0xFFFF8000  }
0x84: {  	_ =	swait.ge [sflag:s16], $0x8000  }
0x85: {  	[sflag:s16] =	ssyncset.done $0x0  }
0x86: {  	[sflag:s16] =	ssyncadd.s32 $0xFFFF8000  }
0x87: {  	_ =	sfence.sel $0x180000  }
0x88: {  	[bflag:$0x0] =	sbarrier.arrive $0xFFFF  }
0x89: {  	p0 =	sne.s32 s5, $0x0;
	_ =	strace $0x90000047  }
0x8a: {  	s0 =	sadd.s32 @!p0 $0x100000, s0;
	[bflag:$0x2] =	sbarrier.arrive $0xFFFF  }
0x8b: {  	[sflag:s0] =	ssyncadd.tile.s32 @!p0 $0x1;
	_ =	shalt  }
.Lfunc_end2:
_tile_overlayer_lowered:
.L_overlay_start_2:
0x8c: {  	(tag) =	ssettag $0x2  }
0x8d: {  	s0 =	rddreg [dreg:$0x0];
	s2 =	stileid.u32  }
0x8e: {  	s1 =	rddreg [dreg:$0x1];
	p0 =	sne.s32 s2, $0x0  }
0x8f: {  	s3 =	rddreg [dreg:$0x2];
	[bflag:$0x3] =	sbarrier.arrive $0xFFFF;
	s2 =	simm.s32 @!p0 $0x1C03  }
0x90: {  	[timem:s3], [sflag:s2] =	dma.local @!p0 [hbm:s0], s1  }
0x91: {  	s0 =	simm.s32 @!p0 $0x3  }
0x92: {  	_ =	swait.ge @!p0 [sflag:s0], s1  }
0x93: {  	s1 =	ssub.s32 @!p0 $0x0, s1;
	[sflag:s0] =	ssyncset.done @!p0 $0x0  }
0x94: {  	[sflag:s0] =	ssyncadd.s32 @!p0 s1  }
0x95: {  	[bflag:$0x3] =	sbarrier.arrive $0xFFFF  }
0x96: {  	_ =	shalt  }

</sc_bundles>
